<compile_context>
chip_gen: v7x
topology: tpu7x:2x2x1
jax: 0.10.2.dev20260603
libtpu: 0.0.44.dev20260713+nightly
codegen_flags: <defaults>
</compile_context>

<pallas_src>
import functools

import jax
import jax.numpy as jnp
from jax import lax
from jax.experimental import pallas as pl
from jax.experimental.pallas import tpu as pltpu, tpu_sc as plsc

_LANES = 16
_UNROLL = 8


@functools.cache
def _make_sc_kernel(n: int, table_n: int):
    info = plsc.get_sparse_core_info()
    num_cores = info.num_cores
    num_workers = num_cores * info.num_subcores
    step = _LANES * _UNROLL
    b_per_w = -(-n // (num_workers * step)) * step
    assert n % 8 == 0 and b_per_w <= n
    mesh = plsc.VectorSubcoreMesh(core_axis_name="c", subcore_axis_name="s")

    @functools.partial(
        pl.kernel,
        out_type=jax.ShapeDtypeStruct((n,), jnp.float32),
        mesh=mesh,
        scratch_types=[
            pltpu.VMEM((b_per_w,), jnp.int32),
            pltpu.VMEM((b_per_w,), jnp.float32),
            pltpu.VMEM((b_per_w,), jnp.float32),
            pltpu.VMEM((table_n,), jnp.float32),
            pltpu.VMEM((table_n,), jnp.float32),
        ],
        compiler_params=pltpu.CompilerParams(needs_layout_passes=False),
    )
    def body(e_hbm, z_hbm, mean_hbm, std_hbm, out_hbm,
             z_v, e_v, y_v, mean_v, std_v):
        wid = lax.axis_index("s") * num_cores + lax.axis_index("c")
        base = jnp.minimum(wid * b_per_w, n - b_per_w)
        pltpu.sync_copy(mean_hbm, mean_v)
        pltpu.sync_copy(std_hbm, std_v)
        pltpu.sync_copy(z_hbm.at[pl.ds(base, b_per_w)], z_v)
        pltpu.sync_copy(e_hbm.at[pl.ds(base, b_per_w)], e_v)

        @plsc.parallel_loop(0, b_per_w, step=_LANES, unroll=_UNROLL)
        def _(off):
            zz = z_v[pl.ds(off, _LANES)]
            s = plsc.load_gather(std_v, [zz])
            m = plsc.load_gather(mean_v, [zz])
            y_v[pl.ds(off, _LANES)] = e_v[pl.ds(off, _LANES)] * s + m

        pltpu.sync_copy(y_v, out_hbm.at[pl.ds(base, b_per_w)])

    return body


def kernel(input_energies, z, mean, stddev):
    n = input_energies.shape[0]
    n2 = -(-n // 1024) * 1024
    e2 = jnp.pad(input_energies, ((0, n2 - n), (0, 0)))
    z2 = jnp.pad(z.astype(jnp.int32), (0, n2 - n))
    e_flat = e2.reshape(n2)
    out = _make_sc_kernel(n2, mean.shape[0])(e_flat, z2, mean, stddev)
    return out.reshape(n2, 1)[:n]

# --- scband reference (transcript-rebuilt; emitter-appended) ---
"""Pipeline reference for scband-trainable-scale-shift-66245575573885 (READ-ONLY COPY).

The authoritative reference and input builder live on the scoring server;
editing this copy changes nothing except your own understanding.
"""

import jax, jax.numpy as jnp
import numpy as np

MAX_Z = 100
N_ATOMS = 1000000

def setup_inputs(seed: int = 0) -> dict:
    key = jax.random.key(seed)
    k1, k2 = jax.random.split(key)
    input_energies = jax.random.normal(k1, (N_ATOMS, 1), dtype=jnp.float32)
    z = jax.random.randint(k2, (N_ATOMS,), 0, MAX_Z, dtype=jnp.int64 if jax.config.jax_enable_x64 else jnp.int32)
    # learned parameters: mean initialized to zeros + initial_mean(=0.0), stddev to ones * initial_stddev(=1.0)
    mean = jnp.zeros((MAX_Z,), dtype=jnp.float32) + 0.0
    stddev = jnp.ones((MAX_Z,), dtype=jnp.float32) * 1.0
    return {"input_energies": input_energies, "z": z, "mean": mean, "stddev": stddev}

def reference(input_energies, z, mean, stddev):
    # gather per-atom scale and shift from the per-atomic-number tables
    selected_mean = jnp.take(mean, z, axis=0)[..., None]
    selected_stddev = jnp.take(stddev, z, axis=0)[..., None]
    y = input_energies * selected_stddev + selected_mean
    return y

if __name__ == "__main__":
    import jax
    _d = setup_inputs()
    print(jax.jit(kernel)(*tuple(_d.values())))

</pallas_src>

<mosaic_0001>
#map = affine_map<(d0, d1) -> (0)>
module attributes {stable_mosaic.version = 14 : i64} {
  func.func @body(%arg0: i32, %arg1: i32, %arg2: memref<1000448xf32, #tpu.memory_space<hbm>>, %arg3: memref<1000448xi32, #tpu.memory_space<hbm>>, %arg4: memref<100xf32, #tpu.memory_space<hbm>>, %arg5: memref<100xf32, #tpu.memory_space<hbm>>, %arg6: memref<1000448xf32, #tpu.memory_space<hbm>>, %arg7: memref<31360xi32, #tpu.memory_space<vmem>>, %arg8: memref<31360xf32, #tpu.memory_space<vmem>>, %arg9: memref<31360xf32, #tpu.memory_space<vmem>>, %arg10: memref<100xf32, #tpu.memory_space<vmem>>, %arg11: memref<100xf32, #tpu.memory_space<vmem>>) attributes {dimension_semantics = [#tpu.dimension_semantics<core_parallel>, #tpu.dimension_semantics<subcore_parallel>], iteration_bounds = array<i64: 2, 16>, scalar_prefetch = 0 : i64, scratch_operands = 5 : i64, tpu.core_type = #tpu.core_type<sc_vector_subcore>, window_params = [{transform_indices = #map}, {transform_indices = #map}, {transform_indices = #map}, {transform_indices = #map}, {transform_indices = #map}]} {
    %mul3A = arith.constant 2 : i32
    %mul3A_0 = arith.muli %arg1, %mul3A : i32
    %add3A = arith.addi %mul3A_0, %arg0 : i32
    %mul3A_1 = arith.constant 31360 : i32
    %mul3A_2 = arith.muli %add3A, %mul3A_1 : i32
    %min3A = arith.constant 969088 : i32
    %min3A_3 = arith.minsi %mul3A_2, %min3A : i32
    "tpu.region"() ({
      %run_scoped3A = tpu.sem_alloc : memref<!tpu.dma_semaphore, #tpu.memory_space<semaphore_mem>>
      tpu.enqueue_dma source(%arg4 : memref<100xf32, #tpu.memory_space<hbm>>) target(%arg10 : memref<100xf32, #tpu.memory_space<vmem>>) target_semaphore(%run_scoped3A : memref<!tpu.dma_semaphore, #tpu.memory_space<semaphore_mem>>)
      tpu.wait_dma2 semaphore(%run_scoped3A : memref<!tpu.dma_semaphore, #tpu.memory_space<semaphore_mem>>) src(%arg4 : memref<100xf32, #tpu.memory_space<hbm>>) dst(%arg10 : memref<100xf32, #tpu.memory_space<vmem>>)
      tpu.yield
    }) : () -> ()
    "tpu.region"() ({
      %run_scoped3A = tpu.sem_alloc : memref<!tpu.dma_semaphore, #tpu.memory_space<semaphore_mem>>
      tpu.enqueue_dma source(%arg5 : memref<100xf32, #tpu.memory_space<hbm>>) target(%arg11 : memref<100xf32, #tpu.memory_space<vmem>>) target_semaphore(%run_scoped3A : memref<!tpu.dma_semaphore, #tpu.memory_space<semaphore_mem>>)
      tpu.wait_dma2 semaphore(%run_scoped3A : memref<!tpu.dma_semaphore, #tpu.memory_space<semaphore_mem>>) src(%arg5 : memref<100xf32, #tpu.memory_space<hbm>>) dst(%arg11 : memref<100xf32, #tpu.memory_space<vmem>>)
      tpu.yield
    }) : () -> ()
    "tpu.region"() ({
      %run_scoped3A = tpu.sem_alloc : memref<!tpu.dma_semaphore, #tpu.memory_space<semaphore_mem>>
      %dma_start3A = tpu.memref_slice %arg3[%min3A_3] : memref<1000448xi32, #tpu.memory_space<hbm>> -> memref<31360xi32, #tpu.memory_space<hbm>>
      %dma_start3A_6 = tpu.memref_slice %arg3[%min3A_3] : memref<1000448xi32, #tpu.memory_space<hbm>> -> memref<31360xi32, #tpu.memory_space<hbm>>
      tpu.enqueue_dma source(%dma_start3A_6 : memref<31360xi32, #tpu.memory_space<hbm>>) target(%arg7 : memref<31360xi32, #tpu.memory_space<vmem>>) target_semaphore(%run_scoped3A : memref<!tpu.dma_semaphore, #tpu.memory_space<semaphore_mem>>)
      %dma_wait3A = tpu.memref_slice %arg3[%min3A_3] : memref<1000448xi32, #tpu.memory_space<hbm>> -> memref<31360xi32, #tpu.memory_space<hbm>>
      %dma_wait3A_7 = tpu.memref_slice %arg3[%min3A_3] : memref<1000448xi32, #tpu.memory_space<hbm>> -> memref<31360xi32, #tpu.memory_space<hbm>>
      tpu.wait_dma2 semaphore(%run_scoped3A : memref<!tpu.dma_semaphore, #tpu.memory_space<semaphore_mem>>) src(%dma_wait3A_7 : memref<31360xi32, #tpu.memory_space<hbm>>) dst(%arg7 : memref<31360xi32, #tpu.memory_space<vmem>>)
      tpu.yield
    }) : () -> ()
    "tpu.region"() ({
      %run_scoped3A = tpu.sem_alloc : memref<!tpu.dma_semaphore, #tpu.memory_space<semaphore_mem>>
      %dma_start3A = tpu.memref_slice %arg2[%min3A_3] : memref<1000448xf32, #tpu.memory_space<hbm>> -> memref<31360xf32, #tpu.memory_space<hbm>>
      %dma_start3A_6 = tpu.memref_slice %arg2[%min3A_3] : memref<1000448xf32, #tpu.memory_space<hbm>> -> memref<31360xf32, #tpu.memory_space<hbm>>
      tpu.enqueue_dma source(%dma_start3A_6 : memref<31360xf32, #tpu.memory_space<hbm>>) target(%arg8 : memref<31360xf32, #tpu.memory_space<vmem>>) target_semaphore(%run_scoped3A : memref<!tpu.dma_semaphore, #tpu.memory_space<semaphore_mem>>)
      %dma_wait3A = tpu.memref_slice %arg2[%min3A_3] : memref<1000448xf32, #tpu.memory_space<hbm>> -> memref<31360xf32, #tpu.memory_space<hbm>>
      %dma_wait3A_7 = tpu.memref_slice %arg2[%min3A_3] : memref<1000448xf32, #tpu.memory_space<hbm>> -> memref<31360xf32, #tpu.memory_space<hbm>>
      tpu.wait_dma2 semaphore(%run_scoped3A : memref<!tpu.dma_semaphore, #tpu.memory_space<semaphore_mem>>) src(%dma_wait3A_7 : memref<31360xf32, #tpu.memory_space<hbm>>) dst(%arg8 : memref<31360xf32, #tpu.memory_space<vmem>>)
      tpu.yield
    }) : () -> ()
    %parallel_loop3A = arith.constant 0 : i32
    %parallel_loop3A_4 = arith.constant 31360 : i32
    %parallel_loop3A_5 = arith.constant 16 : i32
    scf.for %parallel_loop3A_6 = %parallel_loop3A to %parallel_loop3A_4 step %parallel_loop3A_5  : i32 {
      %parallel_loop3A_7 = arith.index_cast %parallel_loop3A_6 : i32 to index
      %parallel_loop3A_8 = tpu.vector_load %arg7[%parallel_loop3A_7] {strides = array<i32>} : memref<31360xi32, #tpu.memory_space<vmem>>, vector<16xi32>,
      %parallel_loop3A_9 = tpu.vector_load_idx %arg11[%parallel_loop3A_8] : memref<100xf32, #tpu.memory_space<vmem>>[vector<16xi32>], vector<16xf32>,
      %parallel_loop3A_10 = tpu.vector_load_idx %arg10[%parallel_loop3A_8] : memref<100xf32, #tpu.memory_space<vmem>>[vector<16xi32>], vector<16xf32>,
      %parallel_loop3A_11 = arith.index_cast %parallel_loop3A_6 : i32 to index
      %parallel_loop3A_12 = tpu.vector_load %arg8[%parallel_loop3A_11] {strides = array<i32>} : memref<31360xf32, #tpu.memory_space<vmem>>, vector<16xf32>,
      %parallel_loop3A_13 = arith.mulf %parallel_loop3A_12, %parallel_loop3A_9 : vector<16xf32>
      %parallel_loop3A_14 = arith.addf %parallel_loop3A_13, %parallel_loop3A_10 : vector<16xf32>
      %parallel_loop3A_15 = arith.index_cast %parallel_loop3A_6 : i32 to index
      %parallel_loop3A_16 = tpu.vector_load %arg9[%parallel_loop3A_15] {strides = array<i32>} : memref<31360xf32, #tpu.memory_space<vmem>>, vector<16xf32>,
      tpu.vector_store %arg9[%parallel_loop3A_15], %parallel_loop3A_14 {strides = array<i32>} : memref<31360xf32, #tpu.memory_space<vmem>>, vector<16xf32>,
    } {sc.loop_unroll_factor = 8 : i64, sc.parallel_access}
    "tpu.region"() ({
      %run_scoped3A = tpu.sem_alloc : memref<!tpu.dma_semaphore, #tpu.memory_space<semaphore_mem>>
      %dma_start3A = tpu.memref_slice %arg6[%min3A_3] : memref<1000448xf32, #tpu.memory_space<hbm>> -> memref<31360xf32, #tpu.memory_space<hbm>>
      %dma_start3A_6 = tpu.memref_slice %arg6[%min3A_3] : memref<1000448xf32, #tpu.memory_space<hbm>> -> memref<31360xf32, #tpu.memory_space<hbm>>
      tpu.enqueue_dma source(%arg9 : memref<31360xf32, #tpu.memory_space<vmem>>) target(%dma_start3A_6 : memref<31360xf32, #tpu.memory_space<hbm>>) target_semaphore(%run_scoped3A : memref<!tpu.dma_semaphore, #tpu.memory_space<semaphore_mem>>)
      %dma_wait3A = tpu.memref_slice %arg6[%min3A_3] : memref<1000448xf32, #tpu.memory_space<hbm>> -> memref<31360xf32, #tpu.memory_space<hbm>>
      %dma_wait3A_7 = tpu.memref_slice %arg6[%min3A_3] : memref<1000448xf32, #tpu.memory_space<hbm>> -> memref<31360xf32, #tpu.memory_space<hbm>>
      tpu.wait_dma2 semaphore(%run_scoped3A : memref<!tpu.dma_semaphore, #tpu.memory_space<semaphore_mem>>) src(%arg9 : memref<31360xf32, #tpu.memory_space<vmem>>) dst(%dma_wait3A_7 : memref<31360xf32, #tpu.memory_space<hbm>>)
      tpu.yield
    }) : () -> ()
    return
  }
}

</mosaic_0001>

<sc_bundles>
// kernel: kernel.3.cloned.1.call-start
scs
__scs_entry_jumppad:
0x0: {  	(pc) =	sbr.rel $0x88, $3  }
0x1: {  	(tag) =	ssettag $0x0;
	lr =	simm.s32 $0x1  }
0x2: {  	[smem:$0x3F9D] =	sst lr;
	_ =	strace $0xD0000000  }
0x3: {  	_ = 	snop  }
0x4: {  	_ = 	snop  }
0x5: {  	_ = 	snop  }
0x6: {  	_ = 	snop  }
0x7: {  	_ = 	snop  }
__scs_overlays_trampoline_lowered:
0x8: {  	[smem:$0x3FAC] =	sst s0  }
0x9: {  	[smem:$0x3FAD] =	sst s1  }
0xa: {  	[smem:$0x3FAE] =	sst s2  }
0xb: {  	[smem:$0x3FAF] =	sst s3  }
0xc: {  	[smem:$0x3FB0] =	sst s4  }
0xd: {  	[smem:$0x3FB1] =	sst s5  }
0xe: {  	[smem:$0x3FB2] =	sst s6  }
0xf: {  	[smem:$0x3FB3] =	sst s7  }
0x10: {  	[smem:$0x3FB4] =	sst s8  }
0x11: {  	[smem:$0x3FB5] =	sst s9;
	s0 =	simm.s32 @!p0 $0x0  }
0x12: {  	s1 =	sld [smem:$0x3F9B];
	s0 =	simm.s32 @p0 $0x1  }
0x13: {  	[smem:$0x3FB6] =	sst s0;
	s0 =	simm.s32 @!p1 $0x0  }
0x14: {  	s2 =	sld [smem:$0x3F9A];
	s0 =	simm.s32 @p1 $0x1  }
0x15: {  	[smem:$0x3FB7] =	sst s0;
	s0 =	simm.s32 @!p2 $0x0  }
0x16: {  	s3 =	sld [smem:$0x3FDB];
	s0 =	simm.s32 @p2 $0x1  }
0x17: {  	s4 =	simm.s32 $0x1BF5;
	[smem:$0x3FB9] =	sst s0  }
0x18: {  	s0 =	sld [smem:$0x3F9C];
	_ =	swait.ge [sflag:s4], $0x0  }
0x19: {  	s7 =	sld [smem:$0x3F9D]  }
0x1a: {  	s8 =	sadd.s32 $0xFFFFE003, lr  }
0x1b: {  	s9 =	sadd.s32 $0xFFFFFEF7, lr;
	s5 =	simm.s32 $0xFFFFFFFF;
	p2 =	slt.u32 s8, $0xFFFFF086  }
0x1c: {  	p1 =	slt.u32 s9, $0xF7A;
	s5 =	simm.s32 @!p2 $0x0  }
0x1d: {  	s5 =	simm.s32 @p1 $0x1;
	p0 =	seq.s32 s7, s2  }
0x1e: {  	s7 =	smul.u32 @!p0 $0xF7A, s2;
	p2 =	seq.s32 @!p0 s5, $0x0  }
0x1f: {  	s9 =	smul.u32 $0xF7A, s1;
	s8 =	simm.s32 @!p0 $0x1BF5;
	p2 =	por !p2, p0  }
0x20: {  	[sflag:s8] =	ssyncset.s32 @!p0 $0xFFFFF086;
	s6 =	sadd.s32 @!p0 s3, s7;
	s7 =	simm.s32 @!p0 $0x108  }
0x21: {  	s3 =	sadd.s32 s3, s9;
	s6 =	sadd.s32 @!p0 $0x88, s6;
	s7 =	simm.s32 @p2 $0x1082  }
0x22: {  	[simem:s7], [sflag:s8] =	dma.local @!p0 [hbm:s6], $0xF7A  }
0x23: {  	s9 =	sor.u32 $0xD0000000, s2;
	s6 =	simm.s32 $0x108;
	_ =	swait.ge @!p0 [sflag:s8], $0x0  }
0x24: {  	s3 =	sadd.s32 $0x88, s3;
	s6 =	simm.s32 @!p1 $0x1082;
	[sflag:s4] =	ssyncset.s32 $0xFFFFF086  }
0x25: {  	[simem:s6], [sflag:s4] =	dma.local [hbm:s3], $0xF7A  }
0x26: {  	[smem:$0x3F9D] =	sst s1;
	(tag) =	ssettag s2;
	_ =	strace s9  }
0x27: {  	s1 =	sld [smem:$0x3FAD]  }
0x28: {  	s2 =	sld [smem:$0x3FAE]  }
0x29: {  	s4 =	sld [smem:$0x3FB0]  }
0x2a: {  	p0 =	seq.s32 s5, $0x0;
	s5 =	sld [smem:$0x3FB1]  }
0x2b: {  	s6 =	sld [smem:$0x3FB2]  }
0x2c: {  	s7 =	sld [smem:$0x3FB3]  }
0x2d: {  	s3 =	simm.s32 $0x108;
	s8 =	sld [smem:$0x3FB4]  }
0x2e: {  	s3 =	simm.s32 @!p0 $0x1082;
	s9 =	sld [smem:$0x3FB5]  }
0x2f: {  	lr =	sadd.s32 s0, s3;
	s0 =	sld [smem:$0x3FAC]  }
0x30: {  	s3 =	sld [smem:$0x3FAF]  }
0x31: {  	[smem:$0x3FB8] =	sst s10  }
0x32: {  	s10 =	sld [smem:$0x3FB6];
	_ =	sdelay $0x3  }
0x33: {  	p0 =	seq.s32 s10, $0x1;
	s10 =	sld [smem:$0x3FB8];
	_ =	sdelay $0x3  }
0x34: {  	[smem:$0x3FB8] =	sst s10  }
0x35: {  	s10 =	sld [smem:$0x3FB7];
	_ =	sdelay $0x3  }
0x36: {  	p1 =	seq.s32 s10, $0x1;
	s10 =	sld [smem:$0x3FB8];
	_ =	sdelay $0x3  }
0x37: {  	[smem:$0x3FB8] =	sst s10  }
0x38: {  	s10 =	sld [smem:$0x3FB9]  }
0x39: {  	_ = 	snop;
	(pc) =	sbr.ind lr, $3  }
0x3a: {  	_ = 	snop  }
0x3b: {  	_ = 	snop  }
0x3c: {  	p2 =	seq.s32 s10, $0x1;
	s10 =	sld [smem:$0x3FB8]  }
0x3d: {  	_ =	shalt  }
0x3e: {  	_ =	shalt  }
0x3f: {  	_ =	shalt  }
0x40: {  	_ =	shalt  }
0x41: {  	_ =	shalt  }
0x42: {  	_ =	shalt  }
0x43: {  	_ =	shalt  }
0x44: {  	_ =	shalt  }
0x45: {  	_ =	shalt  }
0x46: {  	_ =	shalt  }
0x47: {  	_ =	shalt  }
0x48: {  	_ =	shalt  }
0x49: {  	_ =	shalt  }
0x4a: {  	_ =	shalt  }
0x4b: {  	_ =	shalt  }
0x4c: {  	_ =	shalt  }
0x4d: {  	_ =	shalt  }
0x4e: {  	_ =	shalt  }
0x4f: {  	_ =	shalt  }
0x50: {  	_ =	shalt  }
0x51: {  	_ =	shalt  }
0x52: {  	_ =	shalt  }
0x53: {  	_ =	shalt  }
0x54: {  	_ =	shalt  }
0x55: {  	_ =	shalt  }
0x56: {  	_ =	shalt  }
0x57: {  	_ =	shalt  }
0x58: {  	_ =	shalt  }
0x59: {  	_ =	shalt  }
0x5a: {  	_ =	shalt  }
0x5b: {  	_ =	shalt  }
0x5c: {  	_ =	shalt  }
0x5d: {  	_ =	shalt  }
0x5e: {  	_ =	shalt  }
0x5f: {  	_ =	shalt  }
0x60: {  	_ =	shalt  }
0x61: {  	_ =	shalt  }
0x62: {  	_ =	shalt  }
0x63: {  	_ =	shalt  }
0x64: {  	_ =	shalt  }
0x65: {  	_ =	shalt  }
0x66: {  	_ =	shalt  }
0x67: {  	_ =	shalt  }
0x68: {  	_ =	shalt  }
0x69: {  	_ =	shalt  }
0x6a: {  	_ =	shalt  }
0x6b: {  	_ =	shalt  }
0x6c: {  	_ =	shalt  }
0x6d: {  	_ =	shalt  }
0x6e: {  	_ =	shalt  }
0x6f: {  	_ =	shalt  }
0x70: {  	_ =	shalt  }
0x71: {  	_ =	shalt  }
0x72: {  	_ =	shalt  }
0x73: {  	_ =	shalt  }
0x74: {  	_ =	shalt  }
0x75: {  	_ =	shalt  }
0x76: {  	_ =	shalt  }
0x77: {  	_ =	shalt  }
0x78: {  	_ =	shalt  }
0x79: {  	_ =	shalt  }
0x7a: {  	_ =	shalt  }
0x7b: {  	_ =	shalt  }
0x7c: {  	_ =	shalt  }
0x7d: {  	_ =	shalt  }
0x7e: {  	_ =	shalt  }
0x7f: {  	_ =	shalt  }
0x80: {  	_ =	shalt  }
0x81: {  	_ =	shalt  }
0x82: {  	_ =	shalt  }
0x83: {  	_ =	shalt  }
0x84: {  	_ =	shalt  }
0x85: {  	_ =	shalt  }
0x86: {  	_ =	shalt  }
0x87: {  	_ =	shalt  }
.Lfunc_end0:
.L_simem_size_0:
called_computation_lowered:
.L_overlay_start_0:
0x88: {  	s2 =	sld [smem:$0x3FD9]  }
0x89: {  	s3 =	sld [smem:$0x3FFE];
	_ =	sdelay $0x1  }
0x8a: {  	s1 =	srdreg.scid  }
0x8b: {  	s0 =	sand.u32 $0x1, s1  }
0x8c: {  	s17 =	sshll.u32 s0, $0xA;
	s2 =	sadd.s32 s3, s2  }
0x8d: {  	s2 =	sadd.s32 s2, s17  }
0x8e: {  	[smem:$0x3FC4] =	sst s2  }
0x8f: {  	_ = 	snop  }
0x90: {  	s2 =	sld [smem:$0x3FC7]  }
0x91: {  	s18 =	sld [smem:$0x3FC6];
	(tm) =	ssettm $0x1  }
0x92: {  	s4 =	sld [smem:$0x3FFB];
	_ =	sdelay $0x3  }
0x93: {  	_ =	strace s4  }
0x94: {  	s4 =	sld [smem:$0x3FFC];
	_ =	sdelay $0x3  }
0x95: {  	_ =	strace s4  }
0x96: {  	s4 =	sld [smem:$0x3FFD];
	_ =	sdelay $0x3  }
0x97: {  	_ =	strace s4  }
0x98: {  	_ =	strace $0x8FFFFFFF  }
0x99: {  	s19 =	sld [smem:$0x3FDB];
	_ =	sdelay $0x1  }
0x9a: {  	s5 =	simm.s32 $_scs_section_size  }
0x9b: {  	s6 =	simm.s32 $_size__tile_overlayer_lowered;
	s7 =	simm.s32 $_tile_overlayer_lowered  }
0x9c: {  	s22 =	simm.s32 $0x1BFF;
	s21 =	sshll.u32 s7, $0x1;
	s4 =	sadd.s32 s5, s19  }
0x9d: {  	s8 =	simm.s32 $0x0;
	s20 =	sshll.u32 s6, $0x1;
	s6 =	sadd.s32 s21, s4  }
0x9e: {  	[timem:s8], [sflag:s22] =	dma.local [hbm:s6], s20  }
0x9f: {  	_ =	swait.ge [sflag:s22], s20  }
0xa0: {  	s5 =	ssub.s32 $0x0, s20;
	[sflag:s22] =	ssyncset.done $0x0  }
0xa1: {  	[sflag:s22] =	ssyncadd.s32 s5;
	_ =	sdelay $0x1  }
0xa2: {  	s23 =	simm.s32 $0x1B8B  }
0xa3: {  	_ =	swait.ge [sflag:s23], $0x1  }
0xa4: {  	[sflag:s23] =	ssyncset.done $0x0  }
0xa5: {  	s25 =	simm.s32 $0x1B8E;
	s24 =	sld [smem:$0x3FFE];
	[sflag:s23] =	ssyncadd.s32 $0xFFFFFFFF  }
0xa6: {  	s26 =	simm.s32 $execute0_lowered;
	[smem:$0x3FD2] =	sst s25  }
0xa7: {  	s6 =	sshll.u32 s26, $0x1;
	_ =	strace $0x80000046;
	[dreg:$0x1] =	wrdreg $0xFFFFFFFF  }
0xa8: {  	s28 =	simm.s32 $_size_execute0_lowered;
	s4 =	sadd.s32 s4, s6;
	[dreg:$0x0] =	wrdreg $0x0  }
0xa9: {  	s6 =	sshll.u32 s28, $0x1;
	[dreg:$0x2] =	wrdreg s4  }
0xaa: {  	[dreg:$0x3] =	wrdreg s6  }
0xab: {  	[dreg:$0x4] =	wrdreg $0xC0  }
0xac: {  	_ =	task [dreg:s8], $0x5FFFF  }
0xad: {  	[dreg:$0x1] =	wrdreg $0xFFFFFFFF  }
0xae: {  	[dreg:$0x0] =	wrdreg $0x60  }
0xaf: {  	[dreg:$0x2] =	wrdreg s24  }
0xb0: {  	[dreg:$0x3] =	wrdreg s2  }
0xb1: {  	[dreg:$0x4] =	wrdreg s18  }
0xb2: {  	[dreg:$0x5] =	wrdreg $0x9  }
0xb3: {  	_ =	task.clear_ibuf [dreg:s8], $0x6FFFF;
	_ =	strace $0x90000046  }
0xb4: {  	s29 =	simm.s32 $0x9;
	_ =	strace $0x80000048  }
0xb5: {  	_ =	swait.ge [sflag:s29], $0x1  }
0xb6: {  	[sflag:s29] =	ssyncadd.s32 $0xFFFFFFFF  }
0xb7: {  	_ =	strace $0x90000048  }
0xb8: {  	_ =	sfence  }
0xb9: {  	s30 =	sld [smem:$0x0];
	_ =	sdelay $0x2  }
0xba: {  	s31 =	sshll.u32 s1, $0xD;
	s1 =	sshrl.u32 s1, $0x2  }
0xbb: {  	s3 =	sand.u32 $0x4000, s31;
	s1 =	sadd.s32 s1, s30  }
0xbc: {  	s0 =	sor.u32 s3, s0;
	s1 =	sshll.u32 s1, $0x11  }
0xbd: {  	s0 =	sor.u32 s1, s0  }
0xbe: {  	s0 =	sadd.s32 $0x8F2B, s0  }
0xbf: {  	[sflag:s0] =	ssyncadd.remote.s32 $0x1  }
0xc0: {  	_ =	sfence.sel $0xFFFF  }
0xc1: {  	[dreg:$0x0] =	wrdreg $0xFFFFFFFF;
	(pc) =	sbr.abs _section_cstart, $3  }
0xc2: {  	[dreg:$0x1] =	wrdreg $0xFFFFFFFF  }
0xc3: {  	_ =	task.clear_ibuf [dreg:s8], $0x2FFFF;
	_ =	strace $0x9FFFFFFF  }
0xc4: {  	(tm) =	ssettm $0x7FFFFFFF  }
0xc5: {  	_ =	shalt  }
tec
execute0_lowered:
.L_overlay_start_1:
0x0: {  	(tag) =	ssettag $0x1  }
0x1: {  	s6 =	rddreg [dreg:$0x0]  }
0x2: {  	s1 =	srdreg.scid;
	s2 =	rddreg [dreg:$0x1]  }
0x3: {  	s0 =	stileid.u32;
	s3 =	rddreg [dreg:$0x2]  }
0x4: {  	s9 =	simm.s32 $0x16F80;
	s5 =	sand.u32 $0x1, s1;
	s30 =	sshll.u32 s0, $0x1  }
0x5: {  	s10 =	simm.s32 $0x1;
	s11 =	simm.s32 $0x17000;
	s1 =	sor.u32 s5, s30  }
0x6: {  	s12 =	simm.s32 $0x7A80;
	s13 =	simm.s32 $0xF500;
	s4 =	smul.u32 $0x7A80, s1  }
0x7: {  	s14 =	simm.s32 $0x0;
	s5 =	ssub.s32 $0x2, s5;
	s1 =	rddreg [dreg:$0x3]  }
0x8: {  	s31 =	sshrl.u32 s5, $0x1;
	s7 =	smin.u32 s4, $0xEC980;
	s4 =	simm.s32 $0x0  }
0x9: {  	s8 =	ssub.s32 s5, s31;
	s7 =	sshrl.u32 s7, $0x3;
	[smem:$0x7FF] =	sst s4  }
0xa: {  	s8 =	smax.u32 s8, $0x1;
	s7 =	sadd.s32 s7, s6;
	_ =	strace $0x80000047  }
0xb: {  	s5 =	sadd.s32 $0x1F000, s7;
	s6 =	sadd.s32 $0x600, s7;
	s7 =	sadd.s32 $0x3DA00, s7  }
.LBB2_1:
0xc: {  	[tilespmem:s9], [sflag:$0x1] =	stream.linear.gather [hbm4b:s2+s4], $0x80, $0x38;
	[tilespmem:$0x17080] =	vst v63  }
0xd: {  	_ =	swait.ge [sflag:s10], $0x80  }
0xe: {  	[sflag:s10] =	ssyncset.done $0x0  }
0xf: {  	[sflag:s10] =	ssyncadd.s32 $0xFFFFFF80  }
0x10: {  	[tilespmem:s11], [sflag:$0x1] =	stream.linear.gather [hbm4b:s3+s4], $0x80, $0x38;
	[tilespmem:$0x17080] =	vst v63  }
0x11: {  	_ =	swait.ge [sflag:s10], $0x80  }
0x12: {  	[sflag:s10] =	ssyncset.done $0x0  }
0x13: {  	[sflag:s10] =	ssyncadd.s32 $0xFFFFFF80  }
0x14: {  	[tilespmem:s4], [sflag:$0x1] =	stream.linear.gather [hbm4b:s5+s4], $0x7A80, $0x38;
	[tilespmem:$0x17080] =	vst v63  }
0x15: {  	_ =	swait.ge [sflag:s10], $0x7A80  }
0x16: {  	[sflag:s10] =	ssyncset.done $0x0  }
0x17: {  	[sflag:s10] =	ssyncadd.s32 $0xFFFF8580  }
0x18: {  	[tilespmem:s12], [sflag:$0x1] =	stream.linear.gather [hbm4b:s6+s4], $0x7A80, $0x38;
	[tilespmem:$0x17080] =	vst v63  }
0x19: {  	_ =	swait.ge [sflag:s10], $0x7A80  }
0x1a: {  	[sflag:s10] =	ssyncset.done $0x0  }
0x1b: {  	s15 =	simm.s32 $0x40;
	[sflag:s10] =	ssyncadd.s32 $0xFFFF8580  }
0x1c: {  	v0 =	vld [tilespmem:s15+$0x30]  }
0x1d: {  	v1 =	vld [tilespmem:s15+$0xFFFFFFD0]  }
0x1e: {  	v2 =	vld [tilespmem:s15+$0xFFFFFFE0]  }
0x1f: {  	v4 =	vld [tilespmem:s15+$0xFFFFFFF0]  }
0x20: {  	v6 =	vld [tilespmem:s15+$0x0]  }
0x21: {  	v9 =	vld [tilespmem:s15+$0x10]  }
0x22: {  	v11 =	vld [tilespmem:s15+$0x20]  }
0x23: {  	v3 =	vld [tilespmem:s15+$0xFFFFFFC0];
	s15 =	simm.s32 $0x7AC0  }
0x24: {  	v7 =	vld [tilespmem:s15+$0x30]  }
0x25: {  	v18 =	vld [tilespmem:s15+$0xFFFFFFC0]  }
0x26: {  	v19 =	vld [tilespmem:s15+$0xFFFFFFD0]  }
0x27: {  	v20 =	vld [tilespmem:s15+$0xFFFFFFE0]  }
0x28: {  	v21 =	vld [tilespmem:s15+$0xFFFFFFF0]  }
0x29: {  	v22 =	vld [tilespmem:s15+$0x0]  }
0x2a: {  	v23 =	vld [tilespmem:s15+$0x10]  }
0x2b: {  	v24 =	vld [tilespmem:s15+$0x20]  }
0x2c: {  	v5 =	vld.idx.msk [tilespmem:v0+s11+$0x0], $0xffff  }
0x2d: {  	v0 =	vld.idx.msk [tilespmem:v0+s9+$0x0], $0xffff  }
0x2e: {  	v8 =	vld.idx.msk [tilespmem:v1+s11+$0x0], $0xffff  }
0x2f: {  	v12 =	vld.idx.msk [tilespmem:v2+s11+$0x0], $0xffff  }
0x30: {  	v13 =	vld.idx.msk [tilespmem:v4+s11+$0x0], $0xffff  }
0x31: {  	v14 =	vld.idx.msk [tilespmem:v6+s11+$0x0], $0xffff  }
0x32: {  	v15 =	vld.idx.msk [tilespmem:v3+s11+$0x0], $0xffff  }
0x33: {  	v16 =	vld.idx.msk [tilespmem:v9+s11+$0x0], $0xffff  }
0x34: {  	v17 =	vld.idx.msk [tilespmem:v11+s11+$0x0], $0xffff  }
0x35: {  	v25 =	vld.idx.msk [tilespmem:v3+s9+$0x0], $0xffff  }
0x36: {  	v10 =	vld.idx.msk [tilespmem:v1+s9+$0x0], $0xffff  }
0x37: {  	v3 =	vld.idx.msk [tilespmem:v2+s9+$0x0], $0xffff  }
0x38: {  	v9 =	vld.idx.msk [tilespmem:v9+s9+$0x0], $0xffff;
	v5 =	vmul.f32 v7, v5  }
0x39: {  	v15 =	vmul.f32 v18, v15;
	v7 =	vld.idx.msk [tilespmem:v6+s9+$0x0], $0xffff  }
0x3a: {  	v8 =	vmul.f32 v19, v8;
	v6 =	vmul.f32 v21, v13;
	v0 =	vadd.f32 v5, v0;
	v5 =	vld.idx.msk [tilespmem:v4+s9+$0x0], $0xffff  }
0x3b: {  	s16 =	simm.s32 $0xF540;
	v11 =	vld.idx.msk [tilespmem:v11+s9+$0x0], $0xffff;
	v1 =	vmul.f32 v22, v14;
	v2 =	vmul.f32 v23, v16  }
0x3c: {  	s17 =	simm.s32 $0x0;
	s18 =	simm.s32 $0xC0;
	v4 =	vmul.f32 v20, v12;
	v12 =	vadd.f32 v15, v25;
	[tilespmem:s16+$0x30] =	vst v0;
	v0 =	vmul.f32 v24, v17  }
.LBB2_2:
0x3d: {  	v13 =	vld [tilespmem:s18+$0x30];
	s17 =	sadd.s32 $0x80, s17;
	v8 =	vadd.f32 v8, v10  }
0x3e: {  	v3 =	vadd.f32 v4, v3;
	v10 =	vld [tilespmem:s18+$0xFFFFFFD0];
	p0 =	slt.u32 s17, $0x7A00;
	[tilespmem:s16+$0xFFFFFFC0] =	vst v12  }
0x3f: {  	v4 =	vadd.f32 v6, v5;
	v12 =	vld [tilespmem:s18+$0xFFFFFFE0];
	[tilespmem:s16+$0xFFFFFFD0] =	vst v8  }
0x40: {  	v1 =	vadd.f32 v1, v7;
	v5 =	vld [tilespmem:s18+$0xFFFFFFF0];
	[tilespmem:s16+$0xFFFFFFE0] =	vst v3  }
0x41: {  	v2 =	vadd.f32 v2, v9;
	v7 =	vld [tilespmem:s18+$0x0];
	[tilespmem:s16+$0xFFFFFFF0] =	vst v4  }
0x42: {  	v0 =	vadd.f32 v0, v11;
	v9 =	vld [tilespmem:s18+$0x10];
	[tilespmem:s16+$0x0] =	vst v1  }
0x43: {  	v11 =	vld [tilespmem:s18+$0x20];
	[tilespmem:s16+$0x10] =	vst v2  }
0x44: {  	v1 =	vld [tilespmem:s18+$0xFFFFFFC0];
	[tilespmem:s16+$0x20] =	vst v0  }
0x45: {  	s15 =	sadd.s32 $0x80, s15;
	v0 =	vld.idx.msk [tilespmem:v13+s11+$0x0], $0xffff  }
0x46: {  	v2 =	vld [tilespmem:s15+$0x30]  }
0x47: {  	v3 =	vld.idx.msk [tilespmem:v13+s9+$0x0], $0xffff  }
0x48: {  	v4 =	vld.idx.msk [tilespmem:v10+s11+$0x0], $0xffff  }
0x49: {  	v6 =	vld.idx.msk [tilespmem:v12+s11+$0x0], $0xffff  }
0x4a: {  	v13 =	vld.idx.msk [tilespmem:v5+s11+$0x0], $0xffff  }
0x4b: {  	v14 =	vld.idx.msk [tilespmem:v7+s11+$0x0], $0xffff;
	v0 =	vmul.f32 v2, v0  }
0x4c: {  	v2 =	vld.idx.msk [tilespmem:v1+s11+$0x0], $0xffff  }
0x4d: {  	v15 =	vld.idx.msk [tilespmem:v9+s11+$0x0], $0xffff;
	v0 =	vadd.f32 v0, v3  }
0x4e: {  	s16 =	sadd.s32 $0x80, s16;
	v16 =	vld.idx.msk [tilespmem:v11+s11+$0x0], $0xffff  }
0x4f: {  	v3 =	vld [tilespmem:s15+$0xFFFFFFC0];
	[tilespmem:s16+$0x30] =	vst v0  }
0x50: {  	v0 =	vld [tilespmem:s15+$0xFFFFFFD0]  }
0x51: {  	v17 =	vld [tilespmem:s15+$0xFFFFFFE0]  }
0x52: {  	v18 =	vld [tilespmem:s15+$0xFFFFFFF0]  }
0x53: {  	v19 =	vld [tilespmem:s15+$0x0]  }
0x54: {  	v20 =	vmul.f32 v3, v2;
	v2 =	vld [tilespmem:s15+$0x10]  }
0x55: {  	v8 =	vmul.f32 v0, v4;
	v0 =	vld [tilespmem:s15+$0x20]  }
0x56: {  	v21 =	vld.idx.msk [tilespmem:v1+s9+$0x0], $0xffff;
	v4 =	vmul.f32 v17, v6  }
0x57: {  	v10 =	vld.idx.msk [tilespmem:v10+s9+$0x0], $0xffff;
	v6 =	vmul.f32 v18, v13  }
.Ltmp0:
0x58: {  	v3 =	vld.idx.msk [tilespmem:v12+s9+$0x0], $0xffff;
	v1 =	vmul.f32 v19, v14;
	(pc) =	sbr.rel @p0 .LBB2_2-.Ltmp0, $4  }
0x59: {  	v5 =	vld.idx.msk [tilespmem:v5+s9+$0x0], $0xffff;
	v2 =	vmul.f32 v2, v15  }
0x5a: {  	v7 =	vld.idx.msk [tilespmem:v7+s9+$0x0], $0xffff;
	v0 =	vmul.f32 v0, v16  }
0x5b: {  	v9 =	vld.idx.msk [tilespmem:v9+s9+$0x0], $0xffff  }
0x5c: {  	s18 =	sadd.s32 $0x80, s18;
	v12 =	vadd.f32 v20, v21;
	v11 =	vld.idx.msk [tilespmem:v11+s9+$0x0], $0xffff  }
0x5d: {  	v8 =	vadd.f32 v8, v10  }
0x5e: {  	v3 =	vadd.f32 v4, v3;
	[tilespmem:s16+$0xFFFFFFC0] =	vst v12  }
0x5f: {  	v63 =	vadd.f32 v6, v5;
	[tilespmem:s16+$0xFFFFFFD0] =	vst v8  }
0x60: {  	[tilespmem:s16+$0xFFFFFFE0] =	vst v3;
	v1 =	vadd.f32 v1, v7  }
0x61: {  	[tilespmem:s16+$0xFFFFFFF0] =	vst v63;
	v2 =	vadd.f32 v2, v9  }
0x62: {  	s14 =	sadd.s32 $0x1, s14;
	[tilespmem:s16+$0x0] =	vst v1;
	v0 =	vadd.f32 v0, v11  }
0x63: {  	p0 =	sne.s32 s14, s8;
	[tilespmem:s16+$0x10] =	vst v2  }
.Ltmp1:
0x64: {  	[tilespmem:s16+$0x20] =	vst v0;
	(pc) =	sbr.rel @p0 .LBB2_1-.Ltmp1, $4  }
0x65: {  	[hbm4b:s7+s4] =	stream.linear.scatter [tilespmem:s13], [sflag:$0x1], $0x7A80, $0x38;
	[tilespmem:$0x17080] =	vst v63  }
0x66: {  	_ =	swait.ge [sflag:s10], $0x7A80  }
0x67: {  	[sflag:s10] =	ssyncset.done $0x0  }
0x68: {  	[sflag:s10] =	ssyncadd.s32 $0xFFFF8580  }
0x69: {  	_ =	sfence.sel $0x180000  }
0x6a: {  	[bflag:$0x0] =	sbarrier.arrive $0xFFFF  }
0x6b: {  	p0 =	sne.s32 s0, $0x0;
	_ =	strace $0x90000047  }
0x6c: {  	s0 =	sadd.s32 @!p0 $0x100000, s1;
	[bflag:$0x2] =	sbarrier.arrive $0xFFFF  }
0x6d: {  	[sflag:s0] =	ssyncadd.tile.s32 @!p0 $0x1;
	_ =	shalt  }
.Lfunc_end2:
_tile_overlayer_lowered:
.L_overlay_start_2:
0x6e: {  	(tag) =	ssettag $0x2  }
0x6f: {  	s0 =	rddreg [dreg:$0x0];
	s2 =	stileid.u32  }
0x70: {  	s1 =	rddreg [dreg:$0x1];
	p0 =	sne.s32 s2, $0x0  }
0x71: {  	s3 =	rddreg [dreg:$0x2];
	[bflag:$0x3] =	sbarrier.arrive $0xFFFF;
	s2 =	simm.s32 @!p0 $0x1C01  }
0x72: {  	[timem:s3], [sflag:s2] =	dma.local @!p0 [hbm:s0], s1  }
0x73: {  	s0 =	simm.s32 @!p0 $0x1  }
0x74: {  	_ =	swait.ge @!p0 [sflag:s0], s1  }
0x75: {  	s1 =	ssub.s32 @!p0 $0x0, s1;
	[sflag:s0] =	ssyncset.done @!p0 $0x0  }
0x76: {  	[sflag:s0] =	ssyncadd.s32 @!p0 s1  }
0x77: {  	[bflag:$0x3] =	sbarrier.arrive $0xFFFF  }
0x78: {  	_ =	shalt  }

</sc_bundles>
